<compile_context>
chip_gen: v7x
topology: tpu7x:2x2x1
jax: 0.10.2.dev20260603
libtpu: 0.0.44.dev20260713+nightly
codegen_flags: <defaults>
</compile_context>

<pallas_src>
import functools

import jax
import jax.numpy as jnp
from jax import lax
from jax.experimental import pallas as pl
from jax.experimental.pallas import tpu as pltpu
from jax.experimental.pallas import tpu_sc as plsc

HIDDEN = 128
MAX_POS = 4096
BATCH = 4
SEQ = 4096

NC, NS, L = 2, 16, 16
NW = NC * NS
SRANGE = SEQ // NW
PIECE = 64
NSPLIT = SRANGE // PIECE
NPIECE = BATCH * NSPLIT
ROWS = NPIECE * PIECE


def _sc_embed(input_ids, token_table, position_table):
    mesh = plsc.VectorSubcoreMesh(core_axis_name="c", subcore_axis_name="s")

    @functools.partial(
        pl.kernel,
        mesh=mesh,
        out_type=jax.ShapeDtypeStruct((BATCH, SEQ, HIDDEN), jnp.float32),
        scratch_types=[
            pltpu.VMEM((BATCH, SRANGE), jnp.int32),
            pltpu.VMEM((SRANGE, HIDDEN), jnp.float32),
            pltpu.VMEM((ROWS, HIDDEN), jnp.float32),
            pltpu.SemaphoreType.DMA,
            pltpu.SemaphoreType.DMA,
            pltpu.SemaphoreType.DMA((NPIECE,)),
            pltpu.SemaphoreType.DMA((NPIECE,)),
        ],
    )
    def body(ids_hbm, tok_hbm, pos_hbm, out_hbm, idx_v, pos_v, tok_v,
             isem, psem, gsem, ssem):
        wid = lax.axis_index("s") * NC + lax.axis_index("c")
        ss = wid * SRANGE

        icp = pltpu.async_copy(ids_hbm.at[wid], idx_v, isem)
        pcp = pltpu.async_copy(pos_hbm.at[pl.ds(ss, SRANGE)], pos_v, psem)
        icp.wait()

        def issue(k, carry):
            b, h = k // NSPLIT, lax.rem(k, NSPLIT)
            pltpu.async_copy(
                tok_hbm.at[idx_v.at[b, pl.ds(h * PIECE, PIECE)]],
                tok_v.at[pl.ds(k * PIECE, PIECE)], gsem.at[k])
            return carry

        lax.fori_loop(0, NPIECE, issue, 0)
        pcp.wait()

        def process(k, carry):
            b, h = k // NSPLIT, lax.rem(k, NSPLIT)
            dst = tok_v.at[pl.ds(k * PIECE, PIECE)]
            pltpu.make_async_copy(tok_hbm.at[pl.ds(0, PIECE)], dst,
                                  gsem.at[k]).wait()
            row0 = k * PIECE
            ph = h * PIECE

            @plsc.parallel_loop(0, PIECE, unroll=4)
            def add_row(r):
                row = row0 + r
                prow = ph + r
                for c in range(HIDDEN // L):
                    cs = pl.ds(c * L, L)
                    tok_v[row, cs] = tok_v[row, cs] + pos_v[prow, cs]
            pltpu.async_copy(
                dst, out_hbm.at[b, pl.ds(ss + h * PIECE, PIECE)],
                ssem.at[k])
            return carry

        lax.fori_loop(0, NPIECE, process, 0)

        def drain(k, carry):
            pltpu.make_async_copy(
                tok_hbm.at[pl.ds(0, PIECE)],
                out_hbm.at[0, pl.ds(0, PIECE)], ssem.at[k]).wait()
            return carry

        lax.fori_loop(0, NPIECE, drain, 0)

    return body(input_ids, token_table, position_table)


def kernel(input_ids, token_table, position_table):
    ids_r = jnp.transpose(
        input_ids.astype(jnp.int32).reshape(BATCH, NW, SRANGE), (1, 0, 2))
    return _sc_embed(ids_r, token_table, position_table)

# --- scband reference (transcript-rebuilt; emitter-appended) ---
"""Pipeline reference for scband-bert-embeddings-20418274525419 (READ-ONLY COPY).

The authoritative reference and input builder live on the scoring server;
editing this copy changes nothing except your own understanding.
"""

import jax, jax.numpy as jnp
import numpy as np

VOCAB = 100000
HIDDEN = 128
MAX_POS = 4096
BATCH = 4
SEQ = 4096


def setup_inputs(seed: int = 0) -> dict:
    key = jax.random.key(seed)
    k1, k2, k3 = jax.random.split(key, 3)
    input_ids = jax.random.randint(k1, (BATCH, SEQ), 0, VOCAB, dtype=jnp.int64 if jax.config.read('jax_enable_x64') else jnp.int32)
    token_table = jax.random.normal(k2, (VOCAB, HIDDEN), dtype=jnp.float32) * 0.02
    position_table = jax.random.normal(k3, (MAX_POS, HIDDEN), dtype=jnp.float32) * 0.02
    return {"input_ids": input_ids, "token_table": token_table, "position_table": position_table}


def reference(input_ids, token_table, position_table):
    batch_size, seq_len = input_ids.shape
    pos_ids = jnp.arange(seq_len)
    pos_ids = jnp.broadcast_to(pos_ids[None, :], (batch_size, seq_len))
    tok_emb = jnp.take(token_table, input_ids, axis=0)
    pos_emb = jnp.take(position_table, pos_ids, axis=0)
    x = tok_emb + pos_emb
    # dropout is identity in eval mode; faithful deterministic forward
    return x

if __name__ == "__main__":
    import jax
    _d = setup_inputs()
    print(jax.jit(kernel)(*tuple(_d.values())))

</pallas_src>

<mosaic_0001>
#map = affine_map<(d0, d1) -> (0, 0, 0)>
#map1 = affine_map<(d0, d1) -> (0, 0)>
module attributes {stable_mosaic.version = 14 : i64} {
  func.func @body(%arg0: i32, %arg1: i32, %arg2: memref<32x4x128xi32, #tpu.memory_space<hbm>>, %arg3: memref<100000x128xf32, #tpu.memory_space<hbm>>, %arg4: memref<4096x128xf32, #tpu.memory_space<hbm>>, %arg5: memref<4x4096x128xf32, #tpu.memory_space<hbm>>, %arg6: memref<4x128xi32, #tpu.memory_space<vmem>>, %arg7: memref<128x128xf32, #tpu.memory_space<vmem>>, %arg8: memref<512x128xf32, #tpu.memory_space<vmem>>, %arg9: memref<!tpu.dma_semaphore, #tpu.memory_space<semaphore_mem>>, %arg10: memref<!tpu.dma_semaphore, #tpu.memory_space<semaphore_mem>>, %arg11: memref<8x!tpu.dma_semaphore, #tpu.memory_space<semaphore_mem>>, %arg12: memref<8x!tpu.dma_semaphore, #tpu.memory_space<semaphore_mem>>) attributes {dimension_semantics = [#tpu.dimension_semantics<core_parallel>, #tpu.dimension_semantics<subcore_parallel>], iteration_bounds = array<i64: 2, 16>, scalar_prefetch = 0 : i64, scratch_operands = 7 : i64, tpu.core_type = #tpu.core_type<sc_vector_subcore>, window_params = [{transform_indices = #map}, {transform_indices = #map1}, {transform_indices = #map1}, {transform_indices = #map}]} {
    %mul3A = arith.constant 2 : i32
    %mul3A_0 = arith.muli %arg1, %mul3A : i32
    %add3A = arith.addi %mul3A_0, %arg0 : i32
    %mul3A_1 = arith.constant 128 : i32
    %mul3A_2 = arith.muli %add3A, %mul3A_1 : i32
    %dma_start3A = arith.constant 0 : i32
    %dma_start3A_3 = arith.constant 0 : i32
    %dma_start3A_4 = tpu.memref_slice %arg2[%add3A, %dma_start3A, %dma_start3A_3] : memref<32x4x128xi32, #tpu.memory_space<hbm>> -> memref<1x4x128xi32, #tpu.memory_space<hbm>>
    %dma_start3A_5 = tpu.memref_squeeze %dma_start3A_4 : memref<1x4x128xi32, #tpu.memory_space<hbm>> -> memref<4x128xi32, #tpu.memory_space<hbm>>
    %dma_start3A_6 = arith.constant 0 : i32
    %dma_start3A_7 = arith.constant 0 : i32
    %dma_start3A_8 = tpu.memref_slice %arg2[%add3A, %dma_start3A_6, %dma_start3A_7] : memref<32x4x128xi32, #tpu.memory_space<hbm>> -> memref<1x4x128xi32, #tpu.memory_space<hbm>>
    %dma_start3A_9 = tpu.memref_squeeze %dma_start3A_8 : memref<1x4x128xi32, #tpu.memory_space<hbm>> -> memref<4x128xi32, #tpu.memory_space<hbm>>
    tpu.enqueue_dma source(%dma_start3A_9 : memref<4x128xi32, #tpu.memory_space<hbm>>) target(%arg6 : memref<4x128xi32, #tpu.memory_space<vmem>>) target_semaphore(%arg9 : memref<!tpu.dma_semaphore, #tpu.memory_space<semaphore_mem>>)
    %dma_start3A_10 = arith.constant 0 : i32
    %dma_start3A_11 = tpu.memref_slice %arg4[%mul3A_2, %dma_start3A_10] : memref<4096x128xf32, #tpu.memory_space<hbm>> -> memref<128x128xf32, #tpu.memory_space<hbm>>
    %dma_start3A_12 = arith.constant 0 : i32
    %dma_start3A_13 = tpu.memref_slice %arg4[%mul3A_2, %dma_start3A_12] : memref<4096x128xf32, #tpu.memory_space<hbm>> -> memref<128x128xf32, #tpu.memory_space<hbm>>
    tpu.enqueue_dma source(%dma_start3A_13 : memref<128x128xf32, #tpu.memory_space<hbm>>) target(%arg7 : memref<128x128xf32, #tpu.memory_space<vmem>>) target_semaphore(%arg10 : memref<!tpu.dma_semaphore, #tpu.memory_space<semaphore_mem>>)
    %dma_wait3A = arith.constant 0 : i32
    %dma_wait3A_14 = arith.constant 0 : i32
    %dma_wait3A_15 = tpu.memref_slice %arg2[%add3A, %dma_wait3A, %dma_wait3A_14] : memref<32x4x128xi32, #tpu.memory_space<hbm>> -> memref<1x4x128xi32, #tpu.memory_space<hbm>>
    %dma_wait3A_16 = tpu.memref_squeeze %dma_wait3A_15 : memref<1x4x128xi32, #tpu.memory_space<hbm>> -> memref<4x128xi32, #tpu.memory_space<hbm>>
    %dma_wait3A_17 = arith.constant 0 : i32
    %dma_wait3A_18 = arith.constant 0 : i32
    %dma_wait3A_19 = tpu.memref_slice %arg2[%add3A, %dma_wait3A_17, %dma_wait3A_18] : memref<32x4x128xi32, #tpu.memory_space<hbm>> -> memref<1x4x128xi32, #tpu.memory_space<hbm>>
    %dma_wait3A_20 = tpu.memref_squeeze %dma_wait3A_19 : memref<1x4x128xi32, #tpu.memory_space<hbm>> -> memref<4x128xi32, #tpu.memory_space<hbm>>
    tpu.wait_dma2 semaphore(%arg9 : memref<!tpu.dma_semaphore, #tpu.memory_space<semaphore_mem>>) src(%dma_wait3A_20 : memref<4x128xi32, #tpu.memory_space<hbm>>) dst(%arg6 : memref<4x128xi32, #tpu.memory_space<vmem>>)
    %scan3A = arith.constant 0 : i32
    %scan3A_21 = arith.constant 0 : i32
    %scan3A_22 = arith.constant 8 : i32
    %scan3A_23 = arith.addi %scan3A_21, %scan3A_22 : i32
    %scan3A_24 = arith.constant 1 : i32
    scf.for %scan3A_42 = %scan3A_21 to %scan3A_23 step %scan3A_24  : i32 {
      %jit3A = arith.constant 2 : i32
      %div3A = arith.divsi %scan3A_42, %jit3A : i32
      %sign3A = arith.constant 0 : i32
      %sign3A_43 = arith.cmpi sgt, %scan3A_42, %sign3A : i32
      %sign3A_44 = arith.extui %sign3A_43 : i1 to i32
      %sign3A_45 = arith.constant 0 : i32
      %sign3A_46 = arith.cmpi slt, %scan3A_42, %sign3A_45 : i32
      %sign3A_47 = arith.extui %sign3A_46 : i1 to i32
      %sign3A_48 = arith.subi %sign3A_44, %sign3A_47 : i32
      %sign3A_49 = arith.constant 0 : i32
      %sign3A_50 = arith.cmpi sgt, %jit3A, %sign3A_49 : i32
      %sign3A_51 = arith.extui %sign3A_50 : i1 to i32
      %sign3A_52 = arith.constant 0 : i32
      %sign3A_53 = arith.cmpi slt, %jit3A, %sign3A_52 : i32
      %sign3A_54 = arith.extui %sign3A_53 : i1 to i32
      %sign3A_55 = arith.subi %sign3A_51, %sign3A_54 : i32
      %ne3A = arith.cmpi ne, %sign3A_48, %sign3A_55 : i32
      %rem3A = arith.remsi %scan3A_42, %jit3A : i32
      %ne3A_56 = arith.constant 0 : i32
      %ne3A_57 = arith.cmpi ne, %rem3A, %ne3A_56 : i32
      %and3A = arith.andi %ne3A, %ne3A_57 : i1
      %sub3A = arith.constant 1 : i32
      %sub3A_58 = arith.subi %div3A, %sub3A : i32
      %select_n3A = arith.select %and3A, %sub3A_58, %div3A : i32
      %rem3A_59 = arith.constant 2 : i32
      %rem3A_60 = arith.remsi %scan3A_42, %rem3A_59 : i32
      %mul3A_61 = arith.constant 64 : i32
      %mul3A_62 = arith.muli %rem3A_60, %mul3A_61 : i32
      %mul3A_63 = arith.constant 64 : i32
      %mul3A_64 = arith.muli %scan3A_42, %mul3A_63 : i32
      %dma_start3A_65 = arith.constant 0 : i32
      %dma_start3A_66 = tpu.memref_slice %arg8[%mul3A_64, %dma_start3A_65] : memref<512x128xf32, #tpu.memory_space<vmem>> -> memref<64x128xf32, #tpu.memory_space<vmem>>
      %dma_start3A_67 = tpu.memref_slice %arg6[%select_n3A, %mul3A_62] : memref<4x128xi32, #tpu.memory_space<vmem>> -> memref<1x64xi32, #tpu.memory_space<vmem>>
      %dma_start3A_68 = tpu.memref_squeeze %dma_start3A_67 : memref<1x64xi32, #tpu.memory_space<vmem>> -> memref<64xi32, #tpu.memory_space<vmem>>
      %dma_start3A_69 = arith.constant 0 : i32
      %dma_start3A_70 = arith.constant 0 : i32
      %dma_start3A_71 = tpu.memref_slice %arg3[%dma_start3A_69, %dma_start3A_70] : memref<100000x128xf32, #tpu.memory_space<hbm>> -> memref<100000x128xf32, #tpu.memory_space<hbm>>
      %dma_start3A_72 = tpu.memref_slice %arg11[%scan3A_42] : memref<8x!tpu.dma_semaphore, #tpu.memory_space<semaphore_mem>> -> memref<1x!tpu.dma_semaphore, #tpu.memory_space<semaphore_mem>>
      %dma_start3A_73 = tpu.memref_squeeze %dma_start3A_72 : memref<1x!tpu.dma_semaphore, #tpu.memory_space<semaphore_mem>> -> memref<!tpu.dma_semaphore, #tpu.memory_space<semaphore_mem>>
      tpu.enqueue_indirect_dma source(%dma_start3A_71 : memref<100000x128xf32, #tpu.memory_space<hbm>>) target(%dma_start3A_66 : memref<64x128xf32, #tpu.memory_space<vmem>>) offsets(%dma_start3A_68 : memref<64xi32, #tpu.memory_space<vmem>>) semaphore(%dma_start3A_73 : memref<!tpu.dma_semaphore, #tpu.memory_space<semaphore_mem>>)
    }
    %scan3A_25 = arith.constant 8 : i32
    %dma_wait3A_26 = arith.constant 0 : i32
    %dma_wait3A_27 = tpu.memref_slice %arg4[%mul3A_2, %dma_wait3A_26] : memref<4096x128xf32, #tpu.memory_space<hbm>> -> memref<128x128xf32, #tpu.memory_space<hbm>>
    %dma_wait3A_28 = arith.constant 0 : i32
    %dma_wait3A_29 = tpu.memref_slice %arg4[%mul3A_2, %dma_wait3A_28] : memref<4096x128xf32, #tpu.memory_space<hbm>> -> memref<128x128xf32, #tpu.memory_space<hbm>>
    tpu.wait_dma2 semaphore(%arg10 : memref<!tpu.dma_semaphore, #tpu.memory_space<semaphore_mem>>) src(%dma_wait3A_29 : memref<128x128xf32, #tpu.memory_space<hbm>>) dst(%arg7 : memref<128x128xf32, #tpu.memory_space<vmem>>)
    %scan3A_30 = arith.constant 0 : i32
    %scan3A_31 = arith.constant 0 : i32
    %scan3A_32 = arith.constant 8 : i32
    %scan3A_33 = arith.addi %scan3A_31, %scan3A_32 : i32
    %scan3A_34 = arith.constant 1 : i32
    scf.for %scan3A_42 = %scan3A_31 to %scan3A_33 step %scan3A_34  : i32 {
      %jit3A = arith.constant 2 : i32
      %div3A = arith.divsi %scan3A_42, %jit3A : i32
      %sign3A = arith.constant 0 : i32
      %sign3A_43 = arith.cmpi sgt, %scan3A_42, %sign3A : i32
      %sign3A_44 = arith.extui %sign3A_43 : i1 to i32
      %sign3A_45 = arith.constant 0 : i32
      %sign3A_46 = arith.cmpi slt, %scan3A_42, %sign3A_45 : i32
      %sign3A_47 = arith.extui %sign3A_46 : i1 to i32
      %sign3A_48 = arith.subi %sign3A_44, %sign3A_47 : i32
      %sign3A_49 = arith.constant 0 : i32
      %sign3A_50 = arith.cmpi sgt, %jit3A, %sign3A_49 : i32
      %sign3A_51 = arith.extui %sign3A_50 : i1 to i32
      %sign3A_52 = arith.constant 0 : i32
      %sign3A_53 = arith.cmpi slt, %jit3A, %sign3A_52 : i32
      %sign3A_54 = arith.extui %sign3A_53 : i1 to i32
      %sign3A_55 = arith.subi %sign3A_51, %sign3A_54 : i32
      %ne3A = arith.cmpi ne, %sign3A_48, %sign3A_55 : i32
      %rem3A = arith.remsi %scan3A_42, %jit3A : i32
      %ne3A_56 = arith.constant 0 : i32
      %ne3A_57 = arith.cmpi ne, %rem3A, %ne3A_56 : i32
      %and3A = arith.andi %ne3A, %ne3A_57 : i1
      %sub3A = arith.constant 1 : i32
      %sub3A_58 = arith.subi %div3A, %sub3A : i32
      %select_n3A = arith.select %and3A, %sub3A_58, %div3A : i32
      %rem3A_59 = arith.constant 2 : i32
      %rem3A_60 = arith.remsi %scan3A_42, %rem3A_59 : i32
      %mul3A_61 = arith.constant 64 : i32
      %mul3A_62 = arith.muli %scan3A_42, %mul3A_61 : i32
      %dma_wait3A_63 = arith.constant 0 : i32
      %dma_wait3A_64 = tpu.memref_slice %arg8[%mul3A_62, %dma_wait3A_63] : memref<512x128xf32, #tpu.memory_space<vmem>> -> memref<64x128xf32, #tpu.memory_space<vmem>>
      %dma_wait3A_65 = arith.constant 0 : i32
      %dma_wait3A_66 = arith.constant 0 : i32
      %dma_wait3A_67 = tpu.memref_slice %arg3[%dma_wait3A_65, %dma_wait3A_66] : memref<100000x128xf32, #tpu.memory_space<hbm>> -> memref<64x128xf32, #tpu.memory_space<hbm>>
      %dma_wait3A_68 = tpu.memref_slice %arg11[%scan3A_42] : memref<8x!tpu.dma_semaphore, #tpu.memory_space<semaphore_mem>> -> memref<1x!tpu.dma_semaphore, #tpu.memory_space<semaphore_mem>>
      %dma_wait3A_69 = tpu.memref_squeeze %dma_wait3A_68 : memref<1x!tpu.dma_semaphore, #tpu.memory_space<semaphore_mem>> -> memref<!tpu.dma_semaphore, #tpu.memory_space<semaphore_mem>>
      %dma_wait3A_70 = arith.constant 0 : i32
      %dma_wait3A_71 = tpu.memref_slice %arg8[%mul3A_62, %dma_wait3A_70] : memref<512x128xf32, #tpu.memory_space<vmem>> -> memref<64x128xf32, #tpu.memory_space<vmem>>
      %dma_wait3A_72 = arith.constant 0 : i32
      %dma_wait3A_73 = arith.constant 0 : i32
      %dma_wait3A_74 = tpu.memref_slice %arg3[%dma_wait3A_72, %dma_wait3A_73] : memref<100000x128xf32, #tpu.memory_space<hbm>> -> memref<64x128xf32, #tpu.memory_space<hbm>>
      tpu.wait_dma2 semaphore(%dma_wait3A_69 : memref<!tpu.dma_semaphore, #tpu.memory_space<semaphore_mem>>) src(%dma_wait3A_74 : memref<64x128xf32, #tpu.memory_space<hbm>>) dst(%dma_wait3A_71 : memref<64x128xf32, #tpu.memory_space<vmem>>)
      %mul3A_75 = arith.constant 64 : i32
      %mul3A_76 = arith.muli %scan3A_42, %mul3A_75 : i32
      %mul3A_77 = arith.constant 64 : i32
      %mul3A_78 = arith.muli %rem3A_60, %mul3A_77 : i32
      %parallel_loop3A = arith.constant 0 : i32
      %parallel_loop3A_79 = arith.constant 64 : i32
      %parallel_loop3A_80 = arith.constant 1 : i32
      scf.for %parallel_loop3A_96 = %parallel_loop3A to %parallel_loop3A_79 step %parallel_loop3A_80  : i32 {
        %parallel_loop3A_97 = arith.addi %mul3A_76, %parallel_loop3A_96 : i32
        %parallel_loop3A_98 = arith.addi %mul3A_78, %parallel_loop3A_96 : i32
        %parallel_loop3A_99 = arith.index_cast %parallel_loop3A_97 : i32 to index
        %parallel_loop3A_100 = arith.constant 0 : index
        %parallel_loop3A_101 = tpu.vector_load %arg8[%parallel_loop3A_99, %parallel_loop3A_100] {strides = array<i32>} : memref<512x128xf32, #tpu.memory_space<vmem>>, vector<1x16xf32>,
        %parallel_loop3A_102 = vector.shape_cast %parallel_loop3A_101 : vector<1x16xf32> to vector<16xf32>
        %parallel_loop3A_103 = arith.index_cast %parallel_loop3A_98 : i32 to index
        %parallel_loop3A_104 = arith.constant 0 : index
        %parallel_loop3A_105 = tpu.vector_load %arg7[%parallel_loop3A_103, %parallel_loop3A_104] {strides = array<i32>} : memref<128x128xf32, #tpu.memory_space<vmem>>, vector<1x16xf32>,
        %parallel_loop3A_106 = vector.shape_cast %parallel_loop3A_105 : vector<1x16xf32> to vector<16xf32>
        %parallel_loop3A_107 = arith.addf %parallel_loop3A_102, %parallel_loop3A_106 : vector<16xf32>
        %parallel_loop3A_108 = arith.index_cast %parallel_loop3A_97 : i32 to index
        %parallel_loop3A_109 = arith.constant 0 : index
        %parallel_loop3A_110 = tpu.vector_load %arg8[%parallel_loop3A_108, %parallel_loop3A_109] {strides = array<i32>} : memref<512x128xf32, #tpu.memory_space<vmem>>, vector<1x16xf32>,
        %parallel_loop3A_111 = vector.shape_cast %parallel_loop3A_110 : vector<1x16xf32> to vector<16xf32>
        %parallel_loop3A_112 = vector.shape_cast %parallel_loop3A_107 : vector<16xf32> to vector<1x16xf32>
        tpu.vector_store %arg8[%parallel_loop3A_108, %parallel_loop3A_109], %parallel_loop3A_112 {strides = array<i32>} : memref<512x128xf32, #tpu.memory_space<vmem>>, vector<1x16xf32>,
        %parallel_loop3A_113 = arith.index_cast %parallel_loop3A_97 : i32 to index
        %parallel_loop3A_114 = arith.constant 16 : index
        %parallel_loop3A_115 = tpu.vector_load %arg8[%parallel_loop3A_113, %parallel_loop3A_114] {strides = array<i32>} : memref<512x128xf32, #tpu.memory_space<vmem>>, vector<1x16xf32>,
        %parallel_loop3A_116 = vector.shape_cast %parallel_loop3A_115 : vector<1x16xf32> to vector<16xf32>
        %parallel_loop3A_117 = arith.index_cast %parallel_loop3A_98 : i32 to index
        %parallel_loop3A_118 = arith.constant 16 : index
        %parallel_loop3A_119 = tpu.vector_load %arg7[%parallel_loop3A_117, %parallel_loop3A_118] {strides = array<i32>} : memref<128x128xf32, #tpu.memory_space<vmem>>, vector<1x16xf32>,
        %parallel_loop3A_120 = vector.shape_cast %parallel_loop3A_119 : vector<1x16xf32> to vector<16xf32>
        %parallel_loop3A_121 = arith.addf %parallel_loop3A_116, %parallel_loop3A_120 : vector<16xf32>
        %parallel_loop3A_122 = arith.index_cast %parallel_loop3A_97 : i32 to index
        %parallel_loop3A_123 = arith.constant 16 : index
        %parallel_loop3A_124 = tpu.vector_load %arg8[%parallel_loop3A_122, %parallel_loop3A_123] {strides = array<i32>} : memref<512x128xf32, #tpu.memory_space<vmem>>, vector<1x16xf32>,
        %parallel_loop3A_125 = vector.shape_cast %parallel_loop3A_124 : vector<1x16xf32> to vector<16xf32>
        %parallel_loop3A_126 = vector.shape_cast %parallel_loop3A_121 : vector<16xf32> to vector<1x16xf32>
        tpu.vector_store %arg8[%parallel_loop3A_122, %parallel_loop3A_123], %parallel_loop3A_126 {strides = array<i32>} : memref<512x128xf32, #tpu.memory_space<vmem>>, vector<1x16xf32>,
        %parallel_loop3A_127 = arith.index_cast %parallel_loop3A_97 : i32 to index
        %parallel_loop3A_128 = arith.constant 32 : index
        %parallel_loop3A_129 = tpu.vector_load %arg8[%parallel_loop3A_127, %parallel_loop3A_128] {strides = array<i32>} : memref<512x128xf32, #tpu.memory_space<vmem>>, vector<1x16xf32>,
        %parallel_loop3A_130 = vector.shape_cast %parallel_loop3A_129 : vector<1x16xf32> to vector<16xf32>
        %parallel_loop3A_131 = arith.index_cast %parallel_loop3A_98 : i32 to index
        %parallel_loop3A_132 = arith.constant 32 : index
        %parallel_loop3A_133 = tpu.vector_load %arg7[%parallel_loop3A_131, %parallel_loop3A_132] {strides = array<i32>} : memref<128x128xf32, #tpu.memory_space<vmem>>, vector<1x16xf32>,
        %parallel_loop3A_134 = vector.shape_cast %parallel_loop3A_133 : vector<1x16xf32> to vector<16xf32>
        %parallel_loop3A_135 = arith.addf %parallel_loop3A_130, %parallel_loop3A_134 : vector<16xf32>
        %parallel_loop3A_136 = arith.index_cast %parallel_loop3A_97 : i32 to index
        %parallel_loop3A_137 = arith.constant 32 : index
        %parallel_loop3A_138 = tpu.vector_load %arg8[%parallel_loop3A_136, %parallel_loop3A_137] {strides = array<i32>} : memref<512x128xf32, #tpu.memory_space<vmem>>, vector<1x16xf32>,
        %parallel_loop3A_139 = vector.shape_cast %parallel_loop3A_138 : vector<1x16xf32> to vector<16xf32>
        %parallel_loop3A_140 = vector.shape_cast %parallel_loop3A_135 : vector<16xf32> to vector<1x16xf32>
        tpu.vector_store %arg8[%parallel_loop3A_136, %parallel_loop3A_137], %parallel_loop3A_140 {strides = array<i32>} : memref<512x128xf32, #tpu.memory_space<vmem>>, vector<1x16xf32>,
        %parallel_loop3A_141 = arith.index_cast %parallel_loop3A_97 : i32 to index
        %parallel_loop3A_142 = arith.constant 48 : index
        %parallel_loop3A_143 = tpu.vector_load %arg8[%parallel_loop3A_141, %parallel_loop3A_142] {strides = array<i32>} : memref<512x128xf32, #tpu.memory_space<vmem>>, vector<1x16xf32>,
        %parallel_loop3A_144 = vector.shape_cast %parallel_loop3A_143 : vector<1x16xf32> to vector<16xf32>
        %parallel_loop3A_145 = arith.index_cast %parallel_loop3A_98 : i32 to index
        %parallel_loop3A_146 = arith.constant 48 : index
        %parallel_loop3A_147 = tpu.vector_load %arg7[%parallel_loop3A_145, %parallel_loop3A_146] {strides = array<i32>} : memref<128x128xf32, #tpu.memory_space<vmem>>, vector<1x16xf32>,
        %parallel_loop3A_148 = vector.shape_cast %parallel_loop3A_147 : vector<1x16xf32> to vector<16xf32>
        %parallel_loop3A_149 = arith.addf %parallel_loop3A_144, %parallel_loop3A_148 : vector<16xf32>
        %parallel_loop3A_150 = arith.index_cast %parallel_loop3A_97 : i32 to index
        %parallel_loop3A_151 = arith.constant 48 : index
        %parallel_loop3A_152 = tpu.vector_load %arg8[%parallel_loop3A_150, %parallel_loop3A_151] {strides = array<i32>} : memref<512x128xf32, #tpu.memory_space<vmem>>, vector<1x16xf32>,
        %parallel_loop3A_153 = vector.shape_cast %parallel_loop3A_152 : vector<1x16xf32> to vector<16xf32>
        %parallel_loop3A_154 = vector.shape_cast %parallel_loop3A_149 : vector<16xf32> to vector<1x16xf32>
        tpu.vector_store %arg8[%parallel_loop3A_150, %parallel_loop3A_151], %parallel_loop3A_154 {strides = array<i32>} : memref<512x128xf32, #tpu.memory_space<vmem>>, vector<1x16xf32>,
        %parallel_loop3A_155 = arith.index_cast %parallel_loop3A_97 : i32 to index
        %parallel_loop3A_156 = arith.constant 64 : index
        %parallel_loop3A_157 = tpu.vector_load %arg8[%parallel_loop3A_155, %parallel_loop3A_156] {strides = array<i32>} : memref<512x128xf32, #tpu.memory_space<vmem>>, vector<1x16xf32>,
        %parallel_loop3A_158 = vector.shape_cast %parallel_loop3A_157 : vector<1x16xf32> to vector<16xf32>
        %parallel_loop3A_159 = arith.index_cast %parallel_loop3A_98 : i32 to index
        %parallel_loop3A_160 = arith.constant 64 : index
        %parallel_loop3A_161 = tpu.vector_load %arg7[%parallel_loop3A_159, %parallel_loop3A_160] {strides = array<i32>} : memref<128x128xf32, #tpu.memory_space<vmem>>, vector<1x16xf32>,
        %parallel_loop3A_162 = vector.shape_cast %parallel_loop3A_161 : vector<1x16xf32> to vector<16xf32>
        %parallel_loop3A_163 = arith.addf %parallel_loop3A_158, %parallel_loop3A_162 : vector<16xf32>
        %parallel_loop3A_164 = arith.index_cast %parallel_loop3A_97 : i32 to index
        %parallel_loop3A_165 = arith.constant 64 : index
        %parallel_loop3A_166 = tpu.vector_load %arg8[%parallel_loop3A_164, %parallel_loop3A_165] {strides = array<i32>} : memref<512x128xf32, #tpu.memory_space<vmem>>, vector<1x16xf32>,
        %parallel_loop3A_167 = vector.shape_cast %parallel_loop3A_166 : vector<1x16xf32> to vector<16xf32>
        %parallel_loop3A_168 = vector.shape_cast %parallel_loop3A_163 : vector<16xf32> to vector<1x16xf32>
        tpu.vector_store %arg8[%parallel_loop3A_164, %parallel_loop3A_165], %parallel_loop3A_168 {strides = array<i32>} : memref<512x128xf32, #tpu.memory_space<vmem>>, vector<1x16xf32>,
        %parallel_loop3A_169 = arith.index_cast %parallel_loop3A_97 : i32 to index
        %parallel_loop3A_170 = arith.constant 80 : index
        %parallel_loop3A_171 = tpu.vector_load %arg8[%parallel_loop3A_169, %parallel_loop3A_170] {strides = array<i32>} : memref<512x128xf32, #tpu.memory_space<vmem>>, vector<1x16xf32>,
        %parallel_loop3A_172 = vector.shape_cast %parallel_loop3A_171 : vector<1x16xf32> to vector<16xf32>
        %parallel_loop3A_173 = arith.index_cast %parallel_loop3A_98 : i32 to index
        %parallel_loop3A_174 = arith.constant 80 : index
        %parallel_loop3A_175 = tpu.vector_load %arg7[%parallel_loop3A_173, %parallel_loop3A_174] {strides = array<i32>} : memref<128x128xf32, #tpu.memory_space<vmem>>, vector<1x16xf32>,
        %parallel_loop3A_176 = vector.shape_cast %parallel_loop3A_175 : vector<1x16xf32> to vector<16xf32>
        %parallel_loop3A_177 = arith.addf %parallel_loop3A_172, %parallel_loop3A_176 : vector<16xf32>
        %parallel_loop3A_178 = arith.index_cast %parallel_loop3A_97 : i32 to index
        %parallel_loop3A_179 = arith.constant 80 : index
        %parallel_loop3A_180 = tpu.vector_load %arg8[%parallel_loop3A_178, %parallel_loop3A_179] {strides = array<i32>} : memref<512x128xf32, #tpu.memory_space<vmem>>, vector<1x16xf32>,
        %parallel_loop3A_181 = vector.shape_cast %parallel_loop3A_180 : vector<1x16xf32> to vector<16xf32>
        %parallel_loop3A_182 = vector.shape_cast %parallel_loop3A_177 : vector<16xf32> to vector<1x16xf32>
        tpu.vector_store %arg8[%parallel_loop3A_178, %parallel_loop3A_179], %parallel_loop3A_182 {strides = array<i32>} : memref<512x128xf32, #tpu.memory_space<vmem>>, vector<1x16xf32>,
        %parallel_loop3A_183 = arith.index_cast %parallel_loop3A_97 : i32 to index
        %parallel_loop3A_184 = arith.constant 96 : index
        %parallel_loop3A_185 = tpu.vector_load %arg8[%parallel_loop3A_183, %parallel_loop3A_184] {strides = array<i32>} : memref<512x128xf32, #tpu.memory_space<vmem>>, vector<1x16xf32>,
        %parallel_loop3A_186 = vector.shape_cast %parallel_loop3A_185 : vector<1x16xf32> to vector<16xf32>
        %parallel_loop3A_187 = arith.index_cast %parallel_loop3A_98 : i32 to index
        %parallel_loop3A_188 = arith.constant 96 : index
        %parallel_loop3A_189 = tpu.vector_load %arg7[%parallel_loop3A_187, %parallel_loop3A_188] {strides = array<i32>} : memref<128x128xf32, #tpu.memory_space<vmem>>, vector<1x16xf32>,
        %parallel_loop3A_190 = vector.shape_cast %parallel_loop3A_189 : vector<1x16xf32> to vector<16xf32>
        %parallel_loop3A_191 = arith.addf %parallel_loop3A_186, %parallel_loop3A_190 : vector<16xf32>
        %parallel_loop3A_192 = arith.index_cast %parallel_loop3A_97 : i32 to index
        %parallel_loop3A_193 = arith.constant 96 : index
        %parallel_loop3A_194 = tpu.vector_load %arg8[%parallel_loop3A_192, %parallel_loop3A_193] {strides = array<i32>} : memref<512x128xf32, #tpu.memory_space<vmem>>, vector<1x16xf32>,
        %parallel_loop3A_195 = vector.shape_cast %parallel_loop3A_194 : vector<1x16xf32> to vector<16xf32>
        %parallel_loop3A_196 = vector.shape_cast %parallel_loop3A_191 : vector<16xf32> to vector<1x16xf32>
        tpu.vector_store %arg8[%parallel_loop3A_192, %parallel_loop3A_193], %parallel_loop3A_196 {strides = array<i32>} : memref<512x128xf32, #tpu.memory_space<vmem>>, vector<1x16xf32>,
        %parallel_loop3A_197 = arith.index_cast %parallel_loop3A_97 : i32 to index
        %parallel_loop3A_198 = arith.constant 112 : index
        %parallel_loop3A_199 = tpu.vector_load %arg8[%parallel_loop3A_197, %parallel_loop3A_198] {strides = array<i32>} : memref<512x128xf32, #tpu.memory_space<vmem>>, vector<1x16xf32>,
        %parallel_loop3A_200 = vector.shape_cast %parallel_loop3A_199 : vector<1x16xf32> to vector<16xf32>
        %parallel_loop3A_201 = arith.index_cast %parallel_loop3A_98 : i32 to index
        %parallel_loop3A_202 = arith.constant 112 : index
        %parallel_loop3A_203 = tpu.vector_load %arg7[%parallel_loop3A_201, %parallel_loop3A_202] {strides = array<i32>} : memref<128x128xf32, #tpu.memory_space<vmem>>, vector<1x16xf32>,
        %parallel_loop3A_204 = vector.shape_cast %parallel_loop3A_203 : vector<1x16xf32> to vector<16xf32>
        %parallel_loop3A_205 = arith.addf %parallel_loop3A_200, %parallel_loop3A_204 : vector<16xf32>
        %parallel_loop3A_206 = arith.index_cast %parallel_loop3A_97 : i32 to index
        %parallel_loop3A_207 = arith.constant 112 : index
        %parallel_loop3A_208 = tpu.vector_load %arg8[%parallel_loop3A_206, %parallel_loop3A_207] {strides = array<i32>} : memref<512x128xf32, #tpu.memory_space<vmem>>, vector<1x16xf32>,
        %parallel_loop3A_209 = vector.shape_cast %parallel_loop3A_208 : vector<1x16xf32> to vector<16xf32>
        %parallel_loop3A_210 = vector.shape_cast %parallel_loop3A_205 : vector<16xf32> to vector<1x16xf32>
        tpu.vector_store %arg8[%parallel_loop3A_206, %parallel_loop3A_207], %parallel_loop3A_210 {strides = array<i32>} : memref<512x128xf32, #tpu.memory_space<vmem>>, vector<1x16xf32>,
      } {sc.loop_unroll_factor = 4 : i64, sc.parallel_access}
      %mul3A_81 = arith.constant 64 : i32
      %mul3A_82 = arith.muli %rem3A_60, %mul3A_81 : i32
      %add3A_83 = arith.addi %mul3A_2, %mul3A_82 : i32
      %dma_start3A_84 = arith.constant 0 : i32
      %dma_start3A_85 = tpu.memref_slice %arg8[%mul3A_62, %dma_start3A_84] : memref<512x128xf32, #tpu.memory_space<vmem>> -> memref<64x128xf32, #tpu.memory_space<vmem>>
      %dma_start3A_86 = arith.constant 0 : i32
      %dma_start3A_87 = tpu.memref_slice %arg5[%select_n3A, %add3A_83, %dma_start3A_86] : memref<4x4096x128xf32, #tpu.memory_space<hbm>> -> memref<1x64x128xf32, #tpu.memory_space<hbm>>
      %dma_start3A_88 = tpu.memref_squeeze %dma_start3A_87 : memref<1x64x128xf32, #tpu.memory_space<hbm>> -> memref<64x128xf32, #tpu.memory_space<hbm>>
      %dma_start3A_89 = tpu.memref_slice %arg12[%scan3A_42] : memref<8x!tpu.dma_semaphore, #tpu.memory_space<semaphore_mem>> -> memref<1x!tpu.dma_semaphore, #tpu.memory_space<semaphore_mem>>
      %dma_start3A_90 = tpu.memref_squeeze %dma_start3A_89 : memref<1x!tpu.dma_semaphore, #tpu.memory_space<semaphore_mem>> -> memref<!tpu.dma_semaphore, #tpu.memory_space<semaphore_mem>>
      %dma_start3A_91 = arith.constant 0 : i32
      %dma_start3A_92 = tpu.memref_slice %arg5[%select_n3A, %add3A_83, %dma_start3A_91] : memref<4x4096x128xf32, #tpu.memory_space<hbm>> -> memref<1x64x128xf32, #tpu.memory_space<hbm>>
      %dma_start3A_93 = tpu.memref_squeeze %dma_start3A_92 : memref<1x64x128xf32, #tpu.memory_space<hbm>> -> memref<64x128xf32, #tpu.memory_space<hbm>>
      %dma_start3A_94 = arith.constant 0 : i32
      %dma_start3A_95 = tpu.memref_slice %arg8[%mul3A_62, %dma_start3A_94] : memref<512x128xf32, #tpu.memory_space<vmem>> -> memref<64x128xf32, #tpu.memory_space<vmem>>
      tpu.enqueue_dma source(%dma_start3A_95 : memref<64x128xf32, #tpu.memory_space<vmem>>) target(%dma_start3A_93 : memref<64x128xf32, #tpu.memory_space<hbm>>) target_semaphore(%dma_start3A_90 : memref<!tpu.dma_semaphore, #tpu.memory_space<semaphore_mem>>)
    }
    %scan3A_35 = arith.constant 8 : i32
    %scan3A_36 = arith.constant 0 : i32
    %scan3A_37 = arith.constant 0 : i32
    %scan3A_38 = arith.constant 8 : i32
    %scan3A_39 = arith.addi %scan3A_37, %scan3A_38 : i32
    %scan3A_40 = arith.constant 1 : i32
    scf.for %scan3A_42 = %scan3A_37 to %scan3A_39 step %scan3A_40  : i32 {
      %dma_wait3A_43 = arith.constant 0 : i32
      %dma_wait3A_44 = tpu.memref_slice %arg12[%scan3A_42] : memref<8x!tpu.dma_semaphore, #tpu.memory_space<semaphore_mem>> -> memref<1x!tpu.dma_semaphore, #tpu.memory_space<semaphore_mem>>
      %dma_wait3A_45 = tpu.memref_squeeze %dma_wait3A_44 : memref<1x!tpu.dma_semaphore, #tpu.memory_space<semaphore_mem>> -> memref<!tpu.dma_semaphore, #tpu.memory_space<semaphore_mem>>
      %dma_wait3A_46 = arith.constant 0 : i32
      %dma_wait3A_47 = arith.constant 0 : i32
      %dma_wait3A_48 = tpu.memref_slice %arg5[%dma_wait3A_43, %dma_wait3A_46, %dma_wait3A_47] : memref<4x4096x128xf32, #tpu.memory_space<hbm>> -> memref<1x64x128xf32, #tpu.memory_space<hbm>>
      %dma_wait3A_49 = tpu.memref_squeeze %dma_wait3A_48 : memref<1x64x128xf32, #tpu.memory_space<hbm>> -> memref<64x128xf32, #tpu.memory_space<hbm>>
      %dma_wait3A_50 = arith.constant 0 : i32
      %dma_wait3A_51 = arith.constant 0 : i32
      %dma_wait3A_52 = tpu.memref_slice %arg3[%dma_wait3A_50, %dma_wait3A_51] : memref<100000x128xf32, #tpu.memory_space<hbm>> -> memref<64x128xf32, #tpu.memory_space<hbm>>
      tpu.wait_dma2 semaphore(%dma_wait3A_45 : memref<!tpu.dma_semaphore, #tpu.memory_space<semaphore_mem>>) src(%dma_wait3A_52 : memref<64x128xf32, #tpu.memory_space<hbm>>) dst(%dma_wait3A_49 : memref<64x128xf32, #tpu.memory_space<hbm>>)
    }
    %scan3A_41 = arith.constant 8 : i32
    return
  }
}

</mosaic_0001>

<sc_bundles>
// kernel: kernel.3.cloned.1.call-start
scs
__scs_entry_jumppad:
0x0: {  	(pc) =	sbr.rel $0x88, $3  }
0x1: {  	(tag) =	ssettag $0x0;
	lr =	simm.s32 $0x1  }
0x2: {  	[smem:$0x3F9E] =	sst lr;
	_ =	strace $0xD0000000  }
0x3: {  	_ = 	snop  }
0x4: {  	_ = 	snop  }
0x5: {  	_ = 	snop  }
0x6: {  	_ = 	snop  }
0x7: {  	_ = 	snop  }
__scs_overlays_trampoline_lowered:
0x8: {  	[smem:$0x3FAD] =	sst s0  }
0x9: {  	[smem:$0x3FAE] =	sst s1  }
0xa: {  	[smem:$0x3FAF] =	sst s2  }
0xb: {  	[smem:$0x3FB0] =	sst s3  }
0xc: {  	[smem:$0x3FB1] =	sst s4  }
0xd: {  	[smem:$0x3FB2] =	sst s5  }
0xe: {  	[smem:$0x3FB3] =	sst s6  }
0xf: {  	[smem:$0x3FB4] =	sst s7  }
0x10: {  	[smem:$0x3FB5] =	sst s8  }
0x11: {  	[smem:$0x3FB6] =	sst s9;
	s0 =	simm.s32 @!p0 $0x0  }
0x12: {  	s1 =	sld [smem:$0x3F9C];
	s0 =	simm.s32 @p0 $0x1  }
0x13: {  	[smem:$0x3FB7] =	sst s0;
	s0 =	simm.s32 @!p1 $0x0  }
0x14: {  	s2 =	sld [smem:$0x3F9B];
	s0 =	simm.s32 @p1 $0x1  }
0x15: {  	[smem:$0x3FB8] =	sst s0;
	s0 =	simm.s32 @!p2 $0x0  }
0x16: {  	s3 =	sld [smem:$0x3FDB];
	s0 =	simm.s32 @p2 $0x1  }
0x17: {  	s4 =	simm.s32 $0x1BF5;
	[smem:$0x3FBA] =	sst s0  }
0x18: {  	s0 =	sld [smem:$0x3F9D];
	_ =	swait.ge [sflag:s4], $0x0  }
0x19: {  	s7 =	sld [smem:$0x3F9E]  }
0x1a: {  	s8 =	sadd.s32 $0xFFFFE003, lr  }
0x1b: {  	s9 =	sadd.s32 $0xFFFFFEF7, lr;
	s5 =	simm.s32 $0xFFFFFFFF;
	p2 =	slt.u32 s8, $0xFFFFF086  }
0x1c: {  	p1 =	slt.u32 s9, $0xF7A;
	s5 =	simm.s32 @!p2 $0x0  }
0x1d: {  	s5 =	simm.s32 @p1 $0x1;
	p0 =	seq.s32 s7, s2  }
0x1e: {  	s7 =	smul.u32 @!p0 $0xF7A, s2;
	p2 =	seq.s32 @!p0 s5, $0x0  }
0x1f: {  	s9 =	smul.u32 $0xF7A, s1;
	s8 =	simm.s32 @!p0 $0x1BF5;
	p2 =	por !p2, p0  }
0x20: {  	[sflag:s8] =	ssyncset.s32 @!p0 $0xFFFFF086;
	s6 =	sadd.s32 @!p0 s3, s7;
	s7 =	simm.s32 @!p0 $0x108  }
0x21: {  	s3 =	sadd.s32 s3, s9;
	s6 =	sadd.s32 @!p0 $0x88, s6;
	s7 =	simm.s32 @p2 $0x1082  }
0x22: {  	[simem:s7], [sflag:s8] =	dma.local @!p0 [hbm:s6], $0xF7A  }
0x23: {  	s9 =	sor.u32 $0xD0000000, s2;
	s6 =	simm.s32 $0x108;
	_ =	swait.ge @!p0 [sflag:s8], $0x0  }
0x24: {  	s3 =	sadd.s32 $0x88, s3;
	s6 =	simm.s32 @!p1 $0x1082;
	[sflag:s4] =	ssyncset.s32 $0xFFFFF086  }
0x25: {  	[simem:s6], [sflag:s4] =	dma.local [hbm:s3], $0xF7A  }
0x26: {  	[smem:$0x3F9E] =	sst s1;
	(tag) =	ssettag s2;
	_ =	strace s9  }
0x27: {  	s1 =	sld [smem:$0x3FAE]  }
0x28: {  	s2 =	sld [smem:$0x3FAF]  }
0x29: {  	s4 =	sld [smem:$0x3FB1]  }
0x2a: {  	p0 =	seq.s32 s5, $0x0;
	s5 =	sld [smem:$0x3FB2]  }
0x2b: {  	s6 =	sld [smem:$0x3FB3]  }
0x2c: {  	s7 =	sld [smem:$0x3FB4]  }
0x2d: {  	s3 =	simm.s32 $0x108;
	s8 =	sld [smem:$0x3FB5]  }
0x2e: {  	s3 =	simm.s32 @!p0 $0x1082;
	s9 =	sld [smem:$0x3FB6]  }
0x2f: {  	lr =	sadd.s32 s0, s3;
	s0 =	sld [smem:$0x3FAD]  }
0x30: {  	s3 =	sld [smem:$0x3FB0]  }
0x31: {  	[smem:$0x3FB9] =	sst s10  }
0x32: {  	s10 =	sld [smem:$0x3FB7];
	_ =	sdelay $0x3  }
0x33: {  	p0 =	seq.s32 s10, $0x1;
	s10 =	sld [smem:$0x3FB9];
	_ =	sdelay $0x3  }
0x34: {  	[smem:$0x3FB9] =	sst s10  }
0x35: {  	s10 =	sld [smem:$0x3FB8];
	_ =	sdelay $0x3  }
0x36: {  	p1 =	seq.s32 s10, $0x1;
	s10 =	sld [smem:$0x3FB9];
	_ =	sdelay $0x3  }
0x37: {  	[smem:$0x3FB9] =	sst s10  }
0x38: {  	s10 =	sld [smem:$0x3FBA]  }
0x39: {  	_ = 	snop;
	(pc) =	sbr.ind lr, $3  }
0x3a: {  	_ = 	snop  }
0x3b: {  	_ = 	snop  }
0x3c: {  	p2 =	seq.s32 s10, $0x1;
	s10 =	sld [smem:$0x3FB9]  }
0x3d: {  	_ =	shalt  }
0x3e: {  	_ =	shalt  }
0x3f: {  	_ =	shalt  }
0x40: {  	_ =	shalt  }
0x41: {  	_ =	shalt  }
0x42: {  	_ =	shalt  }
0x43: {  	_ =	shalt  }
0x44: {  	_ =	shalt  }
0x45: {  	_ =	shalt  }
0x46: {  	_ =	shalt  }
0x47: {  	_ =	shalt  }
0x48: {  	_ =	shalt  }
0x49: {  	_ =	shalt  }
0x4a: {  	_ =	shalt  }
0x4b: {  	_ =	shalt  }
0x4c: {  	_ =	shalt  }
0x4d: {  	_ =	shalt  }
0x4e: {  	_ =	shalt  }
0x4f: {  	_ =	shalt  }
0x50: {  	_ =	shalt  }
0x51: {  	_ =	shalt  }
0x52: {  	_ =	shalt  }
0x53: {  	_ =	shalt  }
0x54: {  	_ =	shalt  }
0x55: {  	_ =	shalt  }
0x56: {  	_ =	shalt  }
0x57: {  	_ =	shalt  }
0x58: {  	_ =	shalt  }
0x59: {  	_ =	shalt  }
0x5a: {  	_ =	shalt  }
0x5b: {  	_ =	shalt  }
0x5c: {  	_ =	shalt  }
0x5d: {  	_ =	shalt  }
0x5e: {  	_ =	shalt  }
0x5f: {  	_ =	shalt  }
0x60: {  	_ =	shalt  }
0x61: {  	_ =	shalt  }
0x62: {  	_ =	shalt  }
0x63: {  	_ =	shalt  }
0x64: {  	_ =	shalt  }
0x65: {  	_ =	shalt  }
0x66: {  	_ =	shalt  }
0x67: {  	_ =	shalt  }
0x68: {  	_ =	shalt  }
0x69: {  	_ =	shalt  }
0x6a: {  	_ =	shalt  }
0x6b: {  	_ =	shalt  }
0x6c: {  	_ =	shalt  }
0x6d: {  	_ =	shalt  }
0x6e: {  	_ =	shalt  }
0x6f: {  	_ =	shalt  }
0x70: {  	_ =	shalt  }
0x71: {  	_ =	shalt  }
0x72: {  	_ =	shalt  }
0x73: {  	_ =	shalt  }
0x74: {  	_ =	shalt  }
0x75: {  	_ =	shalt  }
0x76: {  	_ =	shalt  }
0x77: {  	_ =	shalt  }
0x78: {  	_ =	shalt  }
0x79: {  	_ =	shalt  }
0x7a: {  	_ =	shalt  }
0x7b: {  	_ =	shalt  }
0x7c: {  	_ =	shalt  }
0x7d: {  	_ =	shalt  }
0x7e: {  	_ =	shalt  }
0x7f: {  	_ =	shalt  }
0x80: {  	_ =	shalt  }
0x81: {  	_ =	shalt  }
0x82: {  	_ =	shalt  }
0x83: {  	_ =	shalt  }
0x84: {  	_ =	shalt  }
0x85: {  	_ =	shalt  }
0x86: {  	_ =	shalt  }
0x87: {  	_ =	shalt  }
.Lfunc_end0:
.L_simem_size_0:
called_computation_lowered:
.L_overlay_start_0:
0x88: {  	s2 =	sld [smem:$0x3FD9]  }
0x89: {  	s3 =	sld [smem:$0x3FFE];
	_ =	sdelay $0x1  }
0x8a: {  	s1 =	srdreg.scid  }
0x8b: {  	s0 =	sand.u32 $0x1, s1  }
0x8c: {  	s18 =	sshll.u32 s0, $0xA;
	s2 =	sadd.s32 s3, s2  }
0x8d: {  	s2 =	sadd.s32 s2, s18  }
0x8e: {  	[smem:$0x3FC5] =	sst s2  }
0x8f: {  	_ = 	snop  }
0x90: {  	s2 =	sld [smem:$0x3FC9]  }
0x91: {  	s19 =	sld [smem:$0x3FC8]  }
0x92: {  	s4 =	sld [smem:$0x3FC7]  }
0x93: {  	s5 =	sld [smem:$0x3FD0];
	(tm) =	ssettm $0x1  }
0x94: {  	s6 =	sld [smem:$0x3FFB];
	_ =	sdelay $0x3  }
0x95: {  	_ =	strace s6  }
0x96: {  	s6 =	sld [smem:$0x3FFC];
	_ =	sdelay $0x3  }
0x97: {  	_ =	strace s6  }
0x98: {  	s6 =	sld [smem:$0x3FFD];
	_ =	sdelay $0x3  }
0x99: {  	_ =	strace s6  }
0x9a: {  	_ =	strace $0x8FFFFFFF  }
0x9b: {  	s20 =	sld [smem:$0x3FDB];
	_ =	sdelay $0x1  }
0x9c: {  	s7 =	simm.s32 $_scs_section_size  }
0x9d: {  	s8 =	simm.s32 $_size__tile_overlayer_lowered;
	s9 =	simm.s32 $_tile_overlayer_lowered  }
0x9e: {  	s23 =	simm.s32 $0x1BFF;
	s22 =	sshll.u32 s9, $0x1;
	s6 =	sadd.s32 s7, s20  }
0x9f: {  	s10 =	simm.s32 $0x0;
	s21 =	sshll.u32 s8, $0x1;
	s8 =	sadd.s32 s22, s6  }
0xa0: {  	[timem:s10], [sflag:s23] =	dma.local [hbm:s8], s21  }
0xa1: {  	_ =	swait.ge [sflag:s23], s21  }
0xa2: {  	s7 =	ssub.s32 $0x0, s21;
	[sflag:s23] =	ssyncset.done $0x0  }
0xa3: {  	[sflag:s23] =	ssyncadd.s32 s7;
	_ =	sdelay $0x1  }
0xa4: {  	s24 =	simm.s32 $0x1B8B  }
0xa5: {  	_ =	swait.ge [sflag:s24], $0x1  }
0xa6: {  	[sflag:s24] =	ssyncset.done $0x0  }
0xa7: {  	s25 =	simm.s32 $0x1B8E;
	[sflag:s24] =	ssyncadd.s32 $0xFFFFFFFF  }
0xa8: {  	s26 =	simm.s32 $execute0_lowered;
	[smem:$0x3FD2] =	sst s25  }
0xa9: {  	s7 =	sshll.u32 s26, $0x1;
	_ =	strace $0x80000046;
	[dreg:$0x1] =	wrdreg $0xFFFFFFFF  }
0xaa: {  	s28 =	simm.s32 $_size_execute0_lowered;
	s6 =	sadd.s32 s6, s7;
	[dreg:$0x0] =	wrdreg $0x0  }
0xab: {  	s7 =	sshll.u32 s28, $0x1;
	[dreg:$0x2] =	wrdreg s6  }
0xac: {  	[dreg:$0x3] =	wrdreg s7  }
0xad: {  	[dreg:$0x4] =	wrdreg $0xC0  }
0xae: {  	_ =	task [dreg:s10], $0x5FFFF  }
0xaf: {  	[dreg:$0x1] =	wrdreg $0xFFFFFFFF  }
0xb0: {  	[dreg:$0x0] =	wrdreg $0x60  }
0xb1: {  	[dreg:$0x2] =	wrdreg s2  }
0xb2: {  	[dreg:$0x3] =	wrdreg s19  }
0xb3: {  	[dreg:$0x4] =	wrdreg s4  }
0xb4: {  	[dreg:$0x5] =	wrdreg s5  }
0xb5: {  	[dreg:$0x6] =	wrdreg $0x9  }
0xb6: {  	_ =	task.clear_ibuf [dreg:s10], $0x7FFFF;
	_ =	strace $0x90000046  }
0xb7: {  	s29 =	simm.s32 $0x9;
	_ =	strace $0x80000048  }
0xb8: {  	_ =	swait.ge [sflag:s29], $0x1  }
0xb9: {  	[sflag:s29] =	ssyncadd.s32 $0xFFFFFFFF  }
0xba: {  	_ =	strace $0x90000048  }
0xbb: {  	_ =	sfence  }
0xbc: {  	s30 =	sld [smem:$0x0];
	_ =	sdelay $0x2  }
0xbd: {  	s31 =	sshll.u32 s1, $0xD;
	s1 =	sshrl.u32 s1, $0x2  }
0xbe: {  	s3 =	sand.u32 $0x4000, s31;
	s1 =	sadd.s32 s1, s30  }
0xbf: {  	s0 =	sor.u32 s3, s0;
	s1 =	sshll.u32 s1, $0x11  }
0xc0: {  	s0 =	sor.u32 s1, s0  }
0xc1: {  	s0 =	sadd.s32 $0x8F2B, s0  }
0xc2: {  	[sflag:s0] =	ssyncadd.remote.s32 $0x1  }
0xc3: {  	_ =	sfence.sel $0xFFFF  }
0xc4: {  	[dreg:$0x0] =	wrdreg $0xFFFFFFFF;
	(pc) =	sbr.abs _section_cstart, $3  }
0xc5: {  	[dreg:$0x1] =	wrdreg $0xFFFFFFFF  }
0xc6: {  	_ =	task.clear_ibuf [dreg:s10], $0x2FFFF;
	_ =	strace $0x9FFFFFFF  }
0xc7: {  	(tm) =	ssettm $0x7FFFFFFF  }
tec
execute0_lowered:
.L_overlay_start_1:
0x0: {  	(tag) =	ssettag $0x1  }
0x1: {  	s0 =	rddreg [dreg:$0x0]  }
0x2: {  	s1 =	rddreg [dreg:$0x1]  }
0x3: {  	s2 =	rddreg [dreg:$0x2]  }
0x4: {  	s6 =	rddreg [dreg:$0x3]  }
0x5: {  	s4 =	srdreg.scid;
	s5 =	stileid.u32  }
0x6: {  	s3 =	simm.s32 $0x0;
	s9 =	simm.s32 $0x1;
	s10 =	simm.s32 $0x40  }
0x7: {  	s19 =	simm.s32 $0x140;
	s20 =	simm.s32 $0xE200;
	s21 =	simm.s32 $0x180  }
0x8: {  	s22 =	simm.s32 $0x10200;
	s23 =	simm.s32 $0x1C0;
	s24 =	simm.s32 $0x12200  }
0x9: {  	s28 =	simm.s32 $0xC;
	s29 =	simm.s32 $0xD;
	s30 =	simm.s32 $0xE  }
0xa: {  	s31 =	simm.s32 $0xF;
	s11 =	simm.s32 $0x0;
	s4 =	sand.u32 $0x1, s4  }
0xb: {  	s5 =	sshll.u32 s5, $0x1;
	[smem:$0x7FF] =	sst s3;
	s7 =	ssub.s32 $0x2, s4  }
0xc: {  	s5 =	sor.u32 s4, s5;
	_ =	strace $0x80000047;
	s25 =	sshrl.u32 s7, $0x1  }
0xd: {  	s8 =	sshll.u32 s5, $0x6;
	s26 =	sshll.u32 s5, $0xB;
	s7 =	ssub.s32 s7, s25  }
0xe: {  	s4 =	sadd.s32 s0, s8;
	s5 =	sadd.s32 s2, s26;
	s6 =	sadd.s32 s6, s26  }
0xf: {  	s25 =	simm.s32 $0x2;
	s26 =	simm.s32 $0xB;
	s0 =	simm.s32 $0x10  }
0x10: {  	s2 =	simm.s32 $0x11;
	s8 =	simm.s32 $0x12;
	s7 =	smax.u32 s7, $0x1  }
.LBB2_1:
0x11: {  	[tilespmem:s3], [sflag:$0x1] =	stream.linear.gather [hbm4b:s4+s3], $0x200, $0x38;
	[tilespmem:$0x14200] =	vst v63  }
0x12: {  	s12 =	simm.s32 $0x200  }
0x13: {  	[tilespmem:s12], [sflag:$0x2] =	stream.linear.gather [hbm4b:s5+s3], $0x4000, $0x38;
	[tilespmem:$0x14200] =	vst v63  }
0x14: {  	_ =	swait.ge [sflag:s9], $0x200  }
0x15: {  	[sflag:s9] =	ssyncset.done $0x0  }
0x16: {  	s18 =	simm.s32 $0x4200;
	[sflag:s9] =	ssyncadd.s32 $0xFFFFFE00  }
0x17: {  	[tilespmem:s18], [sflag:$0x3] =	stream.indirect.gather [hbm4b:s1+s10], $0x80, s3, s10, $0xb8;
	[tilespmem:$0x14200] =	vst v63  }
0x18: {  	s13 =	simm.s32 $0x6200  }
0x19: {  	[tilespmem:s13], [sflag:$0x4] =	stream.indirect.gather [hbm4b:s1+s10], $0x80, s10, s10, $0xb8;
	[tilespmem:$0x14200] =	vst v63  }
0x1a: {  	s14 =	simm.s32 $0x80;
	s13 =	simm.s32 $0x8200  }
0x1b: {  	[tilespmem:s13], [sflag:$0x5] =	stream.indirect.gather [hbm4b:s1+s10], $0x80, s14, s10, $0xb8;
	[tilespmem:$0x14200] =	vst v63  }
0x1c: {  	s15 =	simm.s32 $0xC0;
	s16 =	simm.s32 $0xA200  }
0x1d: {  	[tilespmem:s16], [sflag:$0x6] =	stream.indirect.gather [hbm4b:s1+s10], $0x80, s15, s10, $0xb8;
	[tilespmem:$0x14200] =	vst v63  }
0x1e: {  	s17 =	simm.s32 $0x100;
	s18 =	simm.s32 $0xC200  }
0x1f: {  	[tilespmem:s18], [sflag:$0x7] =	stream.indirect.gather [hbm4b:s1+s10], $0x80, s17, s10, $0xb8;
	[tilespmem:$0x14200] =	vst v63  }
0x20: {  	_ = 	snop  }
0x21: {  	[tilespmem:s20], [sflag:$0x8] =	stream.indirect.gather [hbm4b:s1+s10], $0x80, s19, s10, $0xb8;
	[tilespmem:$0x14200] =	vst v63  }
0x22: {  	_ = 	snop  }
0x23: {  	[tilespmem:s22], [sflag:$0x9] =	stream.indirect.gather [hbm4b:s1+s10], $0x80, s21, s10, $0xb8;
	[tilespmem:$0x14200] =	vst v63  }
0x24: {  	_ = 	snop  }
0x25: {  	[tilespmem:s24], [sflag:$0xA] =	stream.indirect.gather [hbm4b:s1+s10], $0x80, s23, s10, $0xb8;
	[tilespmem:$0x14200] =	vst v63  }
0x26: {  	_ =	swait.ge [sflag:s25], $0x4000  }
0x27: {  	p0 =	por $0x0, $0x0;
	[sflag:s25] =	ssyncset.done $0x0  }
0x28: {  	s13 =	simm.s32 $0x0;
	s16 =	simm.s32 $0x4300;
	[sflag:s25] =	ssyncadd.s32 $0xFFFFC000  }
.LBB2_2:
0x29: {  	s12 =	sadd.s32 $0x3, s13  }
0x2a: {  	s14 =	simm.s32 $0x1;
	_ =	swait.ge [sflag:s12], $0x2000  }
0x2b: {  	s14 =	simm.s32 @!p0 $0x0;
	[sflag:s12] =	ssyncset.done $0x0  }
0x2c: {  	s14 =	sshll.u32 s14, $0xD;
	[sflag:s12] =	ssyncadd.s32 $0xFFFFE000  }
0x2d: {  	s14 =	sor.u32 $0x300, s14;
	v0 =	vld [tilespmem:s16+$0x80]  }
0x2e: {  	v1 =	vld [tilespmem:s14+$0x80]  }
0x2f: {  	v2 =	vld [tilespmem:s16+$0xFFFFFF80]  }
0x30: {  	v3 =	vld [tilespmem:s14+$0xFFFFFF80]  }
0x31: {  	v4 =	vld [tilespmem:s16+$0x0]  }
0x32: {  	v5 =	vld [tilespmem:s14+$0x0]  }
0x33: {  	v6 =	vld [tilespmem:s16+$0xFFFFFF00];
	v0 =	vadd.f32 v1, v0  }
0x34: {  	v1 =	vld [tilespmem:s14+$0xFFFFFF00]  }
0x35: {  	[tilespmem:s16+$0x80] =	vst v0;
	v0 =	vld [tilespmem:s16+$0x90]  }
0x36: {  	v2 =	vadd.f32 v3, v2;
	v3 =	vld [tilespmem:s14+$0x90]  }
0x37: {  	v7 =	vld [tilespmem:s16+$0xFFFFFF10]  }
0x38: {  	[tilespmem:s16+$0xFFFFFF80] =	vst v2;
	v2 =	vadd.f32 v5, v4;
	v4 =	vld [tilespmem:s16+$0xFFFFFF90]  }
0x39: {  	v5 =	vld [tilespmem:s14+$0xFFFFFF90];
	v1 =	vadd.f32 v1, v6  }
0x3a: {  	[tilespmem:s16+$0x0] =	vst v2;
	v2 =	vld [tilespmem:s16+$0x10]  }
0x3b: {  	v6 =	vld [tilespmem:s14+$0x10];
	[tilespmem:s16+$0xFFFFFF00] =	vst v1;
	v0 =	vadd.f32 v3, v0  }
0x3c: {  	v1 =	vld [tilespmem:s14+$0xFFFFFF10]  }
0x3d: {  	[tilespmem:s16+$0x90] =	vst v0;
	v0 =	vld [tilespmem:s16+$0xA0]  }
0x3e: {  	v3 =	vadd.f32 v5, v4;
	v4 =	vld [tilespmem:s14+$0xA0]  }
0x3f: {  	v5 =	vld [tilespmem:s16+$0xFFFFFF20]  }
0x40: {  	[tilespmem:s16+$0xFFFFFF90] =	vst v3;
	v2 =	vadd.f32 v6, v2;
	v3 =	vld [tilespmem:s16+$0xFFFFFFA0]  }
0x41: {  	v6 =	vld [tilespmem:s14+$0xFFFFFFA0];
	v1 =	vadd.f32 v1, v7  }
0x42: {  	[tilespmem:s16+$0x10] =	vst v2;
	v2 =	vld [tilespmem:s16+$0x20]  }
0x43: {  	v7 =	vld [tilespmem:s14+$0x20];
	[tilespmem:s16+$0xFFFFFF10] =	vst v1;
	v0 =	vadd.f32 v4, v0  }
0x44: {  	v1 =	vld [tilespmem:s14+$0xFFFFFF20]  }
0x45: {  	[tilespmem:s16+$0xA0] =	vst v0;
	v0 =	vld [tilespmem:s16+$0xB0]  }
0x46: {  	v3 =	vadd.f32 v6, v3;
	v4 =	vld [tilespmem:s14+$0xB0]  }
0x47: {  	v6 =	vld [tilespmem:s16+$0xFFFFFF30]  }
0x48: {  	[tilespmem:s16+$0xFFFFFFA0] =	vst v3;
	v2 =	vadd.f32 v7, v2;
	v3 =	vld [tilespmem:s16+$0xFFFFFFB0]  }
0x49: {  	v7 =	vld [tilespmem:s14+$0xFFFFFFB0];
	v1 =	vadd.f32 v1, v5  }
0x4a: {  	[tilespmem:s16+$0x20] =	vst v2;
	v2 =	vld [tilespmem:s16+$0x30]  }
0x4b: {  	v5 =	vld [tilespmem:s14+$0x30];
	[tilespmem:s16+$0xFFFFFF20] =	vst v1;
	v0 =	vadd.f32 v4, v0  }
0x4c: {  	v1 =	vld [tilespmem:s14+$0xFFFFFF30]  }
0x4d: {  	[tilespmem:s16+$0xB0] =	vst v0;
	v0 =	vld [tilespmem:s16+$0xC0]  }
0x4e: {  	v3 =	vadd.f32 v7, v3;
	v4 =	vld [tilespmem:s14+$0xC0]  }
0x4f: {  	v7 =	vld [tilespmem:s16+$0xFFFFFF40]  }
0x50: {  	[tilespmem:s16+$0xFFFFFFB0] =	vst v3;
	v2 =	vadd.f32 v5, v2;
	v3 =	vld [tilespmem:s16+$0xFFFFFFC0]  }
0x51: {  	v5 =	vld [tilespmem:s14+$0xFFFFFFC0];
	v1 =	vadd.f32 v1, v6  }
0x52: {  	[tilespmem:s16+$0x30] =	vst v2;
	v2 =	vld [tilespmem:s16+$0x40]  }
0x53: {  	v6 =	vld [tilespmem:s14+$0x40];
	[tilespmem:s16+$0xFFFFFF30] =	vst v1;
	v0 =	vadd.f32 v4, v0  }
0x54: {  	v1 =	vld [tilespmem:s14+$0xFFFFFF40]  }
0x55: {  	[tilespmem:s16+$0xC0] =	vst v0;
	v0 =	vld [tilespmem:s16+$0xD0]  }
0x56: {  	v3 =	vadd.f32 v5, v3;
	v4 =	vld [tilespmem:s14+$0xD0]  }
0x57: {  	v5 =	vld [tilespmem:s16+$0xFFFFFF50]  }
0x58: {  	[tilespmem:s16+$0xFFFFFFC0] =	vst v3;
	v2 =	vadd.f32 v6, v2;
	v3 =	vld [tilespmem:s16+$0xFFFFFFD0]  }
0x59: {  	v6 =	vld [tilespmem:s14+$0xFFFFFFD0];
	v1 =	vadd.f32 v1, v7  }
0x5a: {  	[tilespmem:s16+$0x40] =	vst v2;
	v2 =	vld [tilespmem:s16+$0x50]  }
0x5b: {  	v7 =	vld [tilespmem:s14+$0x50];
	[tilespmem:s16+$0xFFFFFF40] =	vst v1;
	v0 =	vadd.f32 v4, v0  }
0x5c: {  	v1 =	vld [tilespmem:s14+$0xFFFFFF50]  }
0x5d: {  	[tilespmem:s16+$0xD0] =	vst v0;
	v0 =	vld [tilespmem:s16+$0xE0]  }
0x5e: {  	v3 =	vadd.f32 v6, v3;
	v4 =	vld [tilespmem:s14+$0xE0]  }
0x5f: {  	v6 =	vld [tilespmem:s16+$0xFFFFFF60]  }
0x60: {  	[tilespmem:s16+$0xFFFFFFD0] =	vst v3;
	v2 =	vadd.f32 v7, v2;
	v3 =	vld [tilespmem:s16+$0xFFFFFFE0]  }
0x61: {  	v7 =	vld [tilespmem:s14+$0xFFFFFFE0];
	v1 =	vadd.f32 v1, v5  }
0x62: {  	[tilespmem:s16+$0x50] =	vst v2;
	v2 =	vld [tilespmem:s16+$0x60]  }
0x63: {  	v5 =	vld [tilespmem:s14+$0x60];
	[tilespmem:s16+$0xFFFFFF50] =	vst v1;
	v0 =	vadd.f32 v4, v0  }
0x64: {  	v4 =	vld [tilespmem:s14+$0xFFFFFF60]  }
0x65: {  	v8 =	vld [tilespmem:s16+$0xF0];
	[tilespmem:s16+$0xE0] =	vst v0  }
0x66: {  	v1 =	vadd.f32 v7, v3;
	v7 =	vld [tilespmem:s14+$0xF0]  }
0x67: {  	v0 =	vld [tilespmem:s16+$0xFFFFFF70]  }
0x68: {  	[tilespmem:s16+$0xFFFFFFE0] =	vst v1;
	v2 =	vadd.f32 v5, v2;
	v1 =	vld [tilespmem:s16+$0xFFFFFFF0]  }
0x69: {  	v3 =	vld [tilespmem:s14+$0xFFFFFFF0];
	v4 =	vadd.f32 v4, v6  }
0x6a: {  	[tilespmem:s16+$0x60] =	vst v2;
	v2 =	vld [tilespmem:s16+$0x70]  }
0x6b: {  	s15 =	sand.u32 $0x1, s13;
	[tilespmem:s16+$0xFFFFFF60] =	vst v4;
	v4 =	vld [tilespmem:s14+$0x70];
	v6 =	vadd.f32 v7, v8  }
0x6c: {  	s17 =	simm.s32 $0x0;
	s18 =	sadd.s32 $0x200, s16;
	s12 =	smov.u32 s16;
	v5 =	vld [tilespmem:s14+$0xFFFFFF70]  }
.LBB2_3:
0x6d: {  	v7 =	vld [tilespmem:s18+$0x80];
	[tilespmem:s12+$0xF0] =	vst v6;
	s14 =	sadd.s32 $0x200, s14  }
0x6e: {  	s17 =	sadd.s32 $0x4, s17;
	v6 =	vld [tilespmem:s14+$0x80];
	v1 =	vadd.f32 v3, v1  }
0x6f: {  	p1 =	slt.u32 s17, $0x3C;
	v3 =	vld [tilespmem:s14+$0xFFFFFF00]  }
0x70: {  	v8 =	vld [tilespmem:s18+$0xFFFFFF80];
	[tilespmem:s12+$0xFFFFFFF0] =	vst v1;
	v1 =	vadd.f32 v4, v2  }
0x71: {  	v2 =	vld [tilespmem:s14+$0xFFFFFF80];
	v0 =	vadd.f32 v5, v0  }
0x72: {  	v4 =	vld [tilespmem:s18+$0x0];
	[tilespmem:s12+$0x70] =	vst v1  }
0x73: {  	v1 =	vld [tilespmem:s14+$0x0];
	v5 =	vadd.f32 v6, v7;
	[tilespmem:s12+$0xFFFFFF70] =	vst v0;
	s12 =	smov.u32 s18  }
0x74: {  	v0 =	vld [tilespmem:s18+$0xFFFFFF00]  }
0x75: {  	[tilespmem:s18+$0x80] =	vst v5;
	v5 =	vld [tilespmem:s18+$0x90]  }
0x76: {  	v2 =	vadd.f32 v2, v8;
	v6 =	vld [tilespmem:s14+$0x90]  }
0x77: {  	v7 =	vld [tilespmem:s18+$0xFFFFFF10]  }
0x78: {  	[tilespmem:s18+$0xFFFFFF80] =	vst v2;
	v2 =	vld [tilespmem:s18+$0xFFFFFF90];
	v1 =	vadd.f32 v1, v4  }
0x79: {  	v0 =	vadd.f32 v3, v0;
	v3 =	vld [tilespmem:s14+$0xFFFFFF90]  }
0x7a: {  	[tilespmem:s18+$0x0] =	vst v1;
	v1 =	vld [tilespmem:s18+$0x10]  }
0x7b: {  	[tilespmem:s18+$0xFFFFFF00] =	vst v0;
	v0 =	vld [tilespmem:s14+$0x10];
	v4 =	vadd.f32 v6, v5  }
0x7c: {  	v5 =	vld [tilespmem:s14+$0xFFFFFF10]  }
0x7d: {  	[tilespmem:s18+$0x90] =	vst v4;
	v4 =	vld [tilespmem:s18+$0xA0]  }
0x7e: {  	v2 =	vadd.f32 v3, v2;
	v3 =	vld [tilespmem:s14+$0xA0]  }
0x7f: {  	v6 =	vld [tilespmem:s18+$0xFFFFFF20]  }
0x80: {  	[tilespmem:s18+$0xFFFFFF90] =	vst v2;
	v2 =	vld [tilespmem:s18+$0xFFFFFFA0];
	v0 =	vadd.f32 v0, v1  }
0x81: {  	v1 =	vadd.f32 v5, v7;
	v5 =	vld [tilespmem:s14+$0xFFFFFFA0]  }
0x82: {  	[tilespmem:s18+$0x10] =	vst v0;
	v0 =	vld [tilespmem:s18+$0x20]  }
0x83: {  	[tilespmem:s18+$0xFFFFFF10] =	vst v1;
	v1 =	vld [tilespmem:s14+$0x20];
	v3 =	vadd.f32 v3, v4  }
0x84: {  	v4 =	vld [tilespmem:s14+$0xFFFFFF20]  }
0x85: {  	[tilespmem:s18+$0xA0] =	vst v3;
	v3 =	vld [tilespmem:s18+$0xB0]  }
0x86: {  	v2 =	vadd.f32 v5, v2;
	v5 =	vld [tilespmem:s14+$0xB0]  }
0x87: {  	v7 =	vld [tilespmem:s18+$0xFFFFFF30]  }
0x88: {  	[tilespmem:s18+$0xFFFFFFA0] =	vst v2;
	v2 =	vld [tilespmem:s18+$0xFFFFFFB0];
	v0 =	vadd.f32 v1, v0  }
0x89: {  	v1 =	vadd.f32 v4, v6;
	v4 =	vld [tilespmem:s14+$0xFFFFFFB0]  }
0x8a: {  	[tilespmem:s18+$0x20] =	vst v0;
	v0 =	vld [tilespmem:s18+$0x30]  }
0x8b: {  	[tilespmem:s18+$0xFFFFFF20] =	vst v1;
	v1 =	vld [tilespmem:s14+$0x30];
	v3 =	vadd.f32 v5, v3  }
0x8c: {  	v5 =	vld [tilespmem:s14+$0xFFFFFF30]  }
0x8d: {  	[tilespmem:s18+$0xB0] =	vst v3;
	v3 =	vld [tilespmem:s18+$0xC0]  }
0x8e: {  	v2 =	vadd.f32 v4, v2;
	v4 =	vld [tilespmem:s14+$0xC0]  }
0x8f: {  	v6 =	vld [tilespmem:s18+$0xFFFFFF40]  }
0x90: {  	[tilespmem:s18+$0xFFFFFFB0] =	vst v2;
	v2 =	vld [tilespmem:s18+$0xFFFFFFC0];
	v0 =	vadd.f32 v1, v0  }
0x91: {  	v1 =	vadd.f32 v5, v7;
	v5 =	vld [tilespmem:s14+$0xFFFFFFC0]  }
0x92: {  	[tilespmem:s18+$0x30] =	vst v0;
	v0 =	vld [tilespmem:s18+$0x40]  }
0x93: {  	[tilespmem:s18+$0xFFFFFF30] =	vst v1;
	v1 =	vld [tilespmem:s14+$0x40];
	v3 =	vadd.f32 v4, v3  }
0x94: {  	v4 =	vld [tilespmem:s14+$0xFFFFFF40]  }
0x95: {  	[tilespmem:s18+$0xC0] =	vst v3;
	v3 =	vld [tilespmem:s18+$0xD0]  }
0x96: {  	v2 =	vadd.f32 v5, v2;
	v5 =	vld [tilespmem:s14+$0xD0]  }
0x97: {  	v7 =	vld [tilespmem:s18+$0xFFFFFF50]  }
0x98: {  	[tilespmem:s18+$0xFFFFFFC0] =	vst v2;
	v2 =	vld [tilespmem:s18+$0xFFFFFFD0];
	v0 =	vadd.f32 v1, v0  }
0x99: {  	v1 =	vadd.f32 v4, v6;
	v4 =	vld [tilespmem:s14+$0xFFFFFFD0]  }
0x9a: {  	[tilespmem:s18+$0x40] =	vst v0;
	v0 =	vld [tilespmem:s18+$0x50]  }
0x9b: {  	[tilespmem:s18+$0xFFFFFF40] =	vst v1;
	v1 =	vld [tilespmem:s14+$0x50];
	v3 =	vadd.f32 v5, v3  }
0x9c: {  	v5 =	vld [tilespmem:s14+$0xFFFFFF50]  }
0x9d: {  	[tilespmem:s18+$0xD0] =	vst v3;
	v3 =	vld [tilespmem:s18+$0xE0]  }
0x9e: {  	v2 =	vadd.f32 v4, v2;
	v4 =	vld [tilespmem:s14+$0xE0]  }
0x9f: {  	v6 =	vld [tilespmem:s18+$0xFFFFFF60]  }
0xa0: {  	[tilespmem:s18+$0xFFFFFFD0] =	vst v2;
	v2 =	vld [tilespmem:s18+$0xFFFFFFE0];
	v0 =	vadd.f32 v1, v0  }
0xa1: {  	v1 =	vadd.f32 v5, v7;
	v5 =	vld [tilespmem:s14+$0xFFFFFFE0]  }
0xa2: {  	[tilespmem:s18+$0x50] =	vst v0;
	v7 =	vld [tilespmem:s18+$0x60]  }
0xa3: {  	[tilespmem:s18+$0xFFFFFF50] =	vst v1;
	v8 =	vld [tilespmem:s14+$0x60];
	v0 =	vadd.f32 v4, v3  }
0xa4: {  	v3 =	vld [tilespmem:s14+$0xFFFFFF60]  }
0xa5: {  	[tilespmem:s18+$0xE0] =	vst v0;
	v9 =	vld [tilespmem:s18+$0xF0]  }
0xa6: {  	v1 =	vadd.f32 v5, v2;
	v5 =	vld [tilespmem:s14+$0xF0]  }
0xa7: {  	v0 =	vld [tilespmem:s18+$0xFFFFFF70]  }
.Ltmp0:
0xa8: {  	[tilespmem:s18+$0xFFFFFFE0] =	vst v1;
	v1 =	vld [tilespmem:s18+$0xFFFFFFF0];
	v2 =	vadd.f32 v8, v7;
	(pc) =	sbr.rel @p1 .LBB2_3-.Ltmp0, $4  }
0xa9: {  	v4 =	vadd.f32 v3, v6;
	v3 =	vld [tilespmem:s14+$0xFFFFFFF0]  }
0xaa: {  	[tilespmem:s18+$0x60] =	vst v2;
	v2 =	vld [tilespmem:s18+$0x70]  }
0xab: {  	[tilespmem:s18+$0xFFFFFF60] =	vst v4;
	v4 =	vld [tilespmem:s14+$0x70];
	v6 =	vadd.f32 v5, v9  }
0xac: {  	s18 =	sadd.s32 $0x200, s18;
	v5 =	vld [tilespmem:s14+$0xFFFFFF70]  }
0xad: {  	_ = 	snop  }
0xae: {  	s14 =	sshll.u32 s13, $0xF;
	s18 =	sadd.s32 $0xB, s13;
	s13 =	sadd.s32 $0x1, s13  }
0xaf: {  	v1 =	vadd.f32 v3, v1;
	p1 =	sne.s32 s13, $0x8  }
.Ltmp1:
0xb0: {  	[tilespmem:s12+$0xF0] =	vst v6;
	v2 =	vadd.f32 v4, v2;
	(pc) =	sbr.rel @p1 .LBB2_2-.Ltmp1, $4  }
0xb1: {  	s15 =	sshll.u32 s15, $0xA;
	s17 =	sand.u32 $0x30000, s14;
	[tilespmem:s12+$0xFFFFFFF0] =	vst v1;
	v0 =	vadd.f32 v5, v0  }
0xb2: {  	s16 =	sadd.s32 $0x2000, s16;
	s14 =	sshrl.u32 s14, $0x2;
	s17 =	sadd.s32 s17, s6;
	[tilespmem:s12+$0x70] =	vst v2  }
0xb3: {  	p0 =	por !p0, !p0;
	s14 =	sadd.s32 $0x4200, s14;
	s15 =	sadd.s32 s15, s17;
	[tilespmem:s12+$0xFFFFFF70] =	vst v0  }
0xb4: {  	[hbm4b:s15+s3] =	stream.linear.scatter [tilespmem:s14], [sflag:s18], $0x2000, $0x38;
	[tilespmem:$0x14200] =	vst v63  }
0xb5: {  	_ =	swait.ge [sflag:s26], $0x400  }
0xb6: {  	[sflag:s26] =	ssyncset.done $0x0  }
0xb7: {  	[sflag:s26] =	ssyncadd.s32 $0xFFFFFC00  }
0xb8: {  	_ =	swait.ge [sflag:s28], $0x400  }
0xb9: {  	[sflag:s28] =	ssyncset.done $0x0  }
0xba: {  	[sflag:s28] =	ssyncadd.s32 $0xFFFFFC00  }
0xbb: {  	_ =	swait.ge [sflag:s29], $0x400  }
0xbc: {  	[sflag:s29] =	ssyncset.done $0x0  }
0xbd: {  	[sflag:s29] =	ssyncadd.s32 $0xFFFFFC00  }
0xbe: {  	_ =	swait.ge [sflag:s30], $0x400  }
0xbf: {  	[sflag:s30] =	ssyncset.done $0x0  }
0xc0: {  	[sflag:s30] =	ssyncadd.s32 $0xFFFFFC00  }
0xc1: {  	_ =	swait.ge [sflag:s31], $0x400  }
0xc2: {  	[sflag:s31] =	ssyncset.done $0x0  }
0xc3: {  	[sflag:s31] =	ssyncadd.s32 $0xFFFFFC00  }
0xc4: {  	_ =	swait.ge [sflag:s0], $0x400  }
0xc5: {  	[sflag:s0] =	ssyncset.done $0x0  }
0xc6: {  	s11 =	sadd.s32 $0x1, s11;
	[sflag:s0] =	ssyncadd.s32 $0xFFFFFC00  }
0xc7: {  	p0 =	sne.s32 s11, s7;
	_ =	swait.ge [sflag:s2], $0x400  }
.Ltmp2:
0xc8: {  	[sflag:s2] =	ssyncset.done $0x0;
	(pc) =	sbr.rel @p0 .LBB2_1-.Ltmp2, $4  }
0xc9: {  	[sflag:s2] =	ssyncadd.s32 $0xFFFFFC00  }
0xca: {  	_ =	swait.ge [sflag:s8], $0x400  }
0xcb: {  	[sflag:s8] =	ssyncset.done $0x0  }
0xcc: {  	[sflag:s8] =	ssyncadd.s32 $0xFFFFFC00  }
0xcd: {  	_ =	sfence.sel $0x180000  }
0xce: {  	[bflag:$0x0] =	sbarrier.arrive $0xFFFF  }
0xcf: {  	_ =	strace $0x90000047  }
0xd0: {  	s0 =	stileid.u32;
	[bflag:$0x2] =	sbarrier.arrive $0xFFFF  }
0xd1: {  	p0 =	sne.s32 s0, $0x0;
	s0 =	rddreg [dreg:$0x4]  }
0xd2: {  	s0 =	sadd.s32 @!p0 $0x100000, s0  }
0xd3: {  	[sflag:s0] =	ssyncadd.tile.s32 @!p0 $0x1;
	_ =	shalt  }
.Lfunc_end2:
_tile_overlayer_lowered:
.L_overlay_start_2:
0xd4: {  	(tag) =	ssettag $0x2  }
0xd5: {  	s0 =	rddreg [dreg:$0x0];
	s2 =	stileid.u32  }
0xd6: {  	s1 =	rddreg [dreg:$0x1];
	p0 =	sne.s32 s2, $0x0  }
0xd7: {  	s3 =	rddreg [dreg:$0x2];
	[bflag:$0x3] =	sbarrier.arrive $0xFFFF;
	s2 =	simm.s32 @!p0 $0x1C13  }
0xd8: {  	[timem:s3], [sflag:s2] =	dma.local @!p0 [hbm:s0], s1  }
0xd9: {  	s0 =	simm.s32 @!p0 $0x13  }
0xda: {  	_ =	swait.ge @!p0 [sflag:s0], s1  }
0xdb: {  	s1 =	ssub.s32 @!p0 $0x0, s1;
	[sflag:s0] =	ssyncset.done @!p0 $0x0  }
0xdc: {  	[sflag:s0] =	ssyncadd.s32 @!p0 s1  }
0xdd: {  	[bflag:$0x3] =	sbarrier.arrive $0xFFFF  }
0xde: {  	_ =	shalt  }

</sc_bundles>
